<compile_context>
chip_gen: v7x
topology: tpu7x:2x2x1
jax: 0.10.2.dev20260603
libtpu: 0.0.44.dev20260713+nightly
codegen_flags: <defaults>
</compile_context>

<pallas_src>
import functools

import jax
import jax.numpy as jnp
from jax import lax
from jax.experimental import pallas as pl
from jax.experimental.pallas import tpu as pltpu
from jax.experimental.pallas import tpu_sc as plsc

_M = 100000
_B = 1024
_DK = 64
_DOUT = 64
_THRESH = 0.1
_BM = 1024
_NB = _M // _BM + 1
_LAST_OFF = _M - _BM

_NEG_HUGE = -3.0e38


def _score_body(XT, YT, xkb, ykb, nt, colv):
    dn = (((0,), (0,)), ((), ()))
    kq_x = lax.dot_general(xkb, XT, dn, preferred_element_type=jnp.float32)
    kq_y = lax.dot_general(ykb, YT, dn, preferred_element_type=jnp.float32)
    ones = jnp.ones((_DK, 1), jnp.float32)
    yn_col = lax.dot_general(ykb * ykb, ones, dn,
                             preferred_element_type=jnp.float32,
                             precision=lax.Precision.HIGHEST)
    ones1 = jnp.ones((1, _DK), jnp.float32)
    y2_row = lax.dot_general(ones1, YT * YT, (((1,), (0,)), ((), ())),
                             preferred_element_type=jnp.float32,
                             precision=lax.Precision.HIGHEST)
    ynh_col = 0.5 * yn_col
    y2h_row = 0.5 * y2_row - (0.5 * _THRESH)
    gate = (kq_y - ynh_col > y2h_row) & (kq_x > 0.0)
    scores = jnp.where(gate, (kq_x + kq_y) + nt, nt)
    blk_max = jnp.max(scores, axis=0, keepdims=True)
    cand = jnp.where(scores == blk_max, colv, 3.0e38)
    blk_arg = jnp.min(cand, axis=0, keepdims=True).astype(jnp.int32)
    blk_any = jnp.any(gate)
    return blk_max, blk_arg, blk_any


def _score_kernel(XT_ref, YT_ref, xkov_ref, ykov_ref, xkT_hbm, ykT_hbm, nT_hbm,
                  idx_out, flag_out,
                  runmax, runidx, flagacc,
                  xb0, xb1, yb0, yb1, nb0, nb1, sem0, sem1):
    i = pl.program_id(0)

    def _issue(k, xb, yb, nb, sem):
        k = jnp.asarray(k, jnp.int32)
        off = pl.multiple_of(jnp.minimum(k * _BM, _LAST_OFF), 8)

        @pl.when(k < _NB - 1)
        def _keys():
            pltpu.make_async_copy(xkT_hbm.at[:, pl.ds(k * _BM, _BM)], xb,
                                  sem).start()
            pltpu.make_async_copy(ykT_hbm.at[:, pl.ds(k * _BM, _BM)], yb,
                                  sem).start()

        pltpu.make_async_copy(nT_hbm.at[pl.ds(off, _BM), :], nb, sem).start()

    def _wait(k, xb, yb, nb, sem):
        @pl.when(k < _NB - 1)
        def _keys():
            pltpu.make_async_copy(xkT_hbm.at[:, pl.ds(0, _BM)], xb, sem).wait()
            pltpu.make_async_copy(ykT_hbm.at[:, pl.ds(0, _BM)], yb, sem).wait()

        pltpu.make_async_copy(nT_hbm.at[pl.ds(0, _BM), :], nb, sem).wait()

    XT = XT_ref[...]
    YT = YT_ref[...]

    def _merge(blk_max, blk_arg, blk_any):
        better = blk_max > runmax[...]
        runmax[...] = jnp.where(better, blk_max, runmax[...])
        runidx[...] = jnp.where(better, blk_arg, runidx[...])
        flagacc[...] = jnp.maximum(flagacc[...], blk_any.astype(jnp.float32))

    @pl.when(i == 0)
    def _init():
        runmax[...] = jnp.full((1, _B), _NEG_HUGE, jnp.float32)
        runidx[...] = jnp.zeros((1, _B), jnp.int32)
        flagacc[...] = jnp.zeros((1, 1), jnp.float32)
        _issue(0, xb0, yb0, nb0, sem0)

    @pl.when(i == _NB - 1)
    def _ov_keys():
        xb0[...] = xkov_ref[...]
        yb0[...] = ykov_ref[...]

    colv = lax.broadcasted_iota(jnp.int32, (_BM, 1), 0).astype(jnp.float32)
    off = jnp.minimum(i * _BM, _LAST_OFF)

    def _step(xb, yb, nb, sem, xbn, ybn, nbn, semn):
        @pl.when(i + 1 < _NB)
        def _pf():
            _issue(i + 1, xbn, ybn, nbn, semn)

        _wait(i, xb, yb, nb, sem)
        blk_max, blk_arg, blk_any = _score_body(XT, YT, xb[...], yb[...],
                                                nb[...], colv)
        _merge(blk_max, blk_arg + off, blk_any)

    @pl.when(i % 2 == 0)
    def _even():
        _step(xb0, yb0, nb0, sem0, xb1, yb1, nb1, sem1)

    @pl.when(i % 2 == 1)
    def _odd():
        _step(xb1, yb1, nb1, sem1, xb0, yb0, nb0, sem0)

    @pl.when(i == _NB - 1)
    def _fin():
        idx_out[...] = runidx[...]
        flag_out[...] = flagacc[...]


def _scores_argmax(X, Y, x_keys, y_keys, noise):
    XT = X.T
    YT = Y.T
    xkT = x_keys.T
    ykT = y_keys.T
    nT = noise.T
    xk_ov = lax.slice(x_keys, (_LAST_OFF, 0), (_M, _DK)).T
    yk_ov = lax.slice(y_keys, (_LAST_OFF, 0), (_M, _DK)).T
    idx, flag = pl.pallas_call(
        _score_kernel,
        grid=(_NB,),
        in_specs=[
            pl.BlockSpec((_DK, _B), lambda i: (0, 0)),
            pl.BlockSpec((_DK, _B), lambda i: (0, 0)),
            pl.BlockSpec((_DK, _BM), lambda i: (0, 0)),
            pl.BlockSpec((_DK, _BM), lambda i: (0, 0)),
            pl.BlockSpec(memory_space=pl.ANY),
            pl.BlockSpec(memory_space=pl.ANY),
            pl.BlockSpec(memory_space=pl.ANY),
        ],
        out_specs=[
            pl.BlockSpec((1, _B), lambda i: (0, 0)),
            pl.BlockSpec((1, 1), lambda i: (0, 0)),
        ],
        out_shape=[
            jax.ShapeDtypeStruct((1, _B), jnp.int32),
            jax.ShapeDtypeStruct((1, 1), jnp.float32),
        ],
        scratch_shapes=[
            pltpu.VMEM((1, _B), jnp.float32),
            pltpu.VMEM((1, _B), jnp.int32),
            pltpu.VMEM((1, 1), jnp.float32),
            pltpu.VMEM((_DK, _BM), jnp.float32),
            pltpu.VMEM((_DK, _BM), jnp.float32),
            pltpu.VMEM((_DK, _BM), jnp.float32),
            pltpu.VMEM((_DK, _BM), jnp.float32),
            pltpu.VMEM((_BM, _B), jnp.float32),
            pltpu.VMEM((_BM, _B), jnp.float32),
            pltpu.SemaphoreType.DMA,
            pltpu.SemaphoreType.DMA,
        ],
    )(XT, YT, xk_ov, yk_ov, xkT, ykT, nT)
    return idx, flag


def _make_sc_gather():
    info = plsc.get_sparse_core_info()
    nw = info.num_cores * info.num_subcores
    b_per_w = _B // nw
    mesh = plsc.VectorSubcoreMesh(core_axis_name="c", subcore_axis_name="s")

    @functools.partial(
        pl.kernel, mesh=mesh,
        out_type=jax.ShapeDtypeStruct((_B, 2 * _DOUT), jnp.float32),
        scratch_types=[
            pltpu.VMEM((b_per_w,), jnp.int32),
            pltpu.VMEM((b_per_w, 2 * _DOUT), jnp.float32),
            pltpu.SemaphoreType.DMA,
        ],
    )
    def _gather(table_hbm, idx_hbm, out_hbm, idx_v, rows_v, sem):
        wid = lax.axis_index("s") * info.num_cores + lax.axis_index("c")
        base = wid * b_per_w
        pltpu.sync_copy(idx_hbm.at[pl.ds(base, b_per_w)], idx_v)
        pltpu.async_copy(table_hbm.at[idx_v], rows_v, sem).wait()
        pltpu.sync_copy(rows_v, out_hbm.at[pl.ds(base, b_per_w)])

    return _gather


def kernel(X, Y, x_keys, y_keys, values, noise):
    idx, flag = _scores_argmax(X, Y, x_keys, y_keys, noise)
    idx = idx.reshape(_B)
    gather = _make_sc_gather()
    pair = gather(values.reshape(_M // 2, 2 * _DOUT), jnp.right_shift(idx, 1))
    x_hat = jnp.where((idx & 1)[:, None] == 1, pair[:, _DOUT:], pair[:, :_DOUT])
    return jnp.where(flag[0, 0] > 0.0, x_hat, jnp.zeros_like(x_hat))

# --- scband reference (transcript-rebuilt; emitter-appended) ---
"""Pipeline reference for scband-key-value-memory-12850542150220 (READ-ONLY COPY).

The authoritative reference and input builder live on the scoring server;
editing this copy changes nothing except your own understanding.
"""

import jax, jax.numpy as jnp
import numpy as np

M = 100000      # number of stored key-value pairs (populated via update() in torch)
DK1 = 64        # dim_key1
DK2 = 64        # dim_key2
DOUT = 64       # dim_out
B = 1024        # query batch
THRESH = 0.1
NOISE_VAR = 0.0001


def setup_inputs(seed: int = 0) -> dict:
    key = jax.random.key(seed)
    k1, k2, k3, k4, k5, k6 = jax.random.split(key, 6)
    x_keys = jax.random.normal(k1, (M, DK1), dtype=jnp.float32)
    y_keys = jax.random.normal(k2, (M, DK2), dtype=jnp.float32)
    values = jax.random.normal(k3, (M, DOUT), dtype=jnp.float32)
    X = jax.random.normal(k4, (B, DK1), dtype=jnp.float32)
    # Make Y queries lie near stored y_keys so the distance gate (d_y < thresh) fires,
    # exercising the full retrieval path instead of the trivial all-zeros branch.
    Y = y_keys[:B] + 0.001 * jax.random.normal(k5, (B, DK2), dtype=jnp.float32)
    # torch.randn(gate.shape) * noise_var, materialized deterministically here
    noise = jax.random.normal(k6, (B, M), dtype=jnp.float32) * NOISE_VAR
    return {"X": X, "Y": Y, "x_keys": x_keys, "y_keys": y_keys, "values": values, "noise": noise}


def reference(X, Y, x_keys, y_keys, values, noise):
    # Faithful translation of KeyValueMemory.forward with populated memory.
    y_norms = jnp.sum(y_keys ** 2, axis=-1)                    # [M]
    kq_y = jnp.einsum('ij,...j->...i', y_keys, Y)              # [B, M]
    kq_x = jnp.einsum('ij,...j->...i', x_keys, X)              # [B, M]
    # keepdims=True needed so [B,1] broadcasts against [M] (the torch code
    # as written only broadcasts correctly with a trailing singleton)
    d_y = y_norms + jnp.sum(Y ** 2, axis=-1, keepdims=True) - 2.0 * kq_y  # [B, M]
    gate = (d_y < THRESH) & (kq_x > 0)                         # [B, M] bool
    scores = gate * (kq_x + kq_y) + noise                      # [B, M]
    this_one = jnp.argmax(scores, axis=-1)                     # [B]
    x_hat = values[this_one]                                   # [B, DOUT] gather
    any_gate = jnp.any(gate)
    out = jnp.where(any_gate, x_hat, jnp.zeros_like(x_hat))
    return out

if __name__ == "__main__":
    import jax
    _d = setup_inputs()
    print(jax.jit(kernel)(*tuple(_d.values())))

</pallas_src>

<mosaic_0001>
#map = affine_map<(d0, d1) -> (0, 0)>
#map1 = affine_map<(d0, d1) -> (0)>
module attributes {stable_mosaic.version = 14 : i64} {
  func.func @_gather(%arg0: i32, %arg1: i32, %arg2: memref<50000x128xf32, #tpu.memory_space<hbm>>, %arg3: memref<1024xi32, #tpu.memory_space<hbm>>, %arg4: memref<1024x128xf32, #tpu.memory_space<hbm>>, %arg5: memref<32xi32, #tpu.memory_space<vmem>>, %arg6: memref<32x128xf32, #tpu.memory_space<vmem>>, %arg7: memref<!tpu.dma_semaphore, #tpu.memory_space<semaphore_mem>>) attributes {dimension_semantics = [#tpu.dimension_semantics<core_parallel>, #tpu.dimension_semantics<subcore_parallel>], iteration_bounds = array<i64: 2, 16>, scalar_prefetch = 0 : i64, scratch_operands = 3 : i64, tpu.core_type = #tpu.core_type<sc_vector_subcore>, window_params = [{transform_indices = #map}, {transform_indices = #map1}, {transform_indices = #map}]} {
    %mul3A = arith.constant 2 : i32
    %mul3A_0 = arith.muli %arg1, %mul3A : i32
    %add3A = arith.addi %mul3A_0, %arg0 : i32
    %mul3A_1 = arith.constant 32 : i32
    %mul3A_2 = arith.muli %add3A, %mul3A_1 : i32
    "tpu.region"() ({
      %run_scoped3A = tpu.sem_alloc : memref<!tpu.dma_semaphore, #tpu.memory_space<semaphore_mem>>
      %dma_start3A_7 = tpu.memref_slice %arg3[%mul3A_2] : memref<1024xi32, #tpu.memory_space<hbm>> -> memref<32xi32, #tpu.memory_space<hbm>>
      %dma_start3A_8 = tpu.memref_slice %arg3[%mul3A_2] : memref<1024xi32, #tpu.memory_space<hbm>> -> memref<32xi32, #tpu.memory_space<hbm>>
      tpu.enqueue_dma source(%dma_start3A_8 : memref<32xi32, #tpu.memory_space<hbm>>) target(%arg5 : memref<32xi32, #tpu.memory_space<vmem>>) target_semaphore(%run_scoped3A : memref<!tpu.dma_semaphore, #tpu.memory_space<semaphore_mem>>)
      %dma_wait3A_9 = tpu.memref_slice %arg3[%mul3A_2] : memref<1024xi32, #tpu.memory_space<hbm>> -> memref<32xi32, #tpu.memory_space<hbm>>
      %dma_wait3A_10 = tpu.memref_slice %arg3[%mul3A_2] : memref<1024xi32, #tpu.memory_space<hbm>> -> memref<32xi32, #tpu.memory_space<hbm>>
      tpu.wait_dma2 semaphore(%run_scoped3A : memref<!tpu.dma_semaphore, #tpu.memory_space<semaphore_mem>>) src(%dma_wait3A_10 : memref<32xi32, #tpu.memory_space<hbm>>) dst(%arg5 : memref<32xi32, #tpu.memory_space<vmem>>)
      tpu.yield
    }) : () -> ()
    %dma_start3A = arith.constant 0 : i32
    %dma_start3A_3 = arith.constant 0 : i32
    %dma_start3A_4 = tpu.memref_slice %arg2[%dma_start3A, %dma_start3A_3] : memref<50000x128xf32, #tpu.memory_space<hbm>> -> memref<50000x128xf32, #tpu.memory_space<hbm>>
    tpu.enqueue_indirect_dma source(%dma_start3A_4 : memref<50000x128xf32, #tpu.memory_space<hbm>>) target(%arg6 : memref<32x128xf32, #tpu.memory_space<vmem>>) offsets(%arg5 : memref<32xi32, #tpu.memory_space<vmem>>) semaphore(%arg7 : memref<!tpu.dma_semaphore, #tpu.memory_space<semaphore_mem>>)
    %dma_wait3A = arith.constant 0 : i32
    %dma_wait3A_5 = arith.constant 0 : i32
    %dma_wait3A_6 = tpu.memref_slice %arg2[%dma_wait3A, %dma_wait3A_5] : memref<50000x128xf32, #tpu.memory_space<hbm>> -> memref<50000x128xf32, #tpu.memory_space<hbm>>
    tpu.wait_indirect_dma semaphore(%arg7 : memref<!tpu.dma_semaphore, #tpu.memory_space<semaphore_mem>>) src(%dma_wait3A_6 : memref<50000x128xf32, #tpu.memory_space<hbm>>) dst(%arg6 : memref<32x128xf32, #tpu.memory_space<vmem>>)
    "tpu.region"() ({
      %run_scoped3A = tpu.sem_alloc : memref<!tpu.dma_semaphore, #tpu.memory_space<semaphore_mem>>
      %dma_start3A_7 = arith.constant 0 : i32
      %dma_start3A_8 = tpu.memref_slice %arg4[%mul3A_2, %dma_start3A_7] : memref<1024x128xf32, #tpu.memory_space<hbm>> -> memref<32x128xf32, #tpu.memory_space<hbm>>
      %dma_start3A_9 = arith.constant 0 : i32
      %dma_start3A_10 = tpu.memref_slice %arg4[%mul3A_2, %dma_start3A_9] : memref<1024x128xf32, #tpu.memory_space<hbm>> -> memref<32x128xf32, #tpu.memory_space<hbm>>
      tpu.enqueue_dma source(%arg6 : memref<32x128xf32, #tpu.memory_space<vmem>>) target(%dma_start3A_10 : memref<32x128xf32, #tpu.memory_space<hbm>>) target_semaphore(%run_scoped3A : memref<!tpu.dma_semaphore, #tpu.memory_space<semaphore_mem>>)
      %dma_wait3A_11 = arith.constant 0 : i32
      %dma_wait3A_12 = tpu.memref_slice %arg4[%mul3A_2, %dma_wait3A_11] : memref<1024x128xf32, #tpu.memory_space<hbm>> -> memref<32x128xf32, #tpu.memory_space<hbm>>
      %dma_wait3A_13 = arith.constant 0 : i32
      %dma_wait3A_14 = tpu.memref_slice %arg4[%mul3A_2, %dma_wait3A_13] : memref<1024x128xf32, #tpu.memory_space<hbm>> -> memref<32x128xf32, #tpu.memory_space<hbm>>
      tpu.wait_dma2 semaphore(%run_scoped3A : memref<!tpu.dma_semaphore, #tpu.memory_space<semaphore_mem>>) src(%arg6 : memref<32x128xf32, #tpu.memory_space<vmem>>) dst(%dma_wait3A_14 : memref<32x128xf32, #tpu.memory_space<hbm>>)
      tpu.yield
    }) : () -> ()
    return
  }
}

module attributes {stable_mosaic.version = 14 : i64} {
  func.func @_score_kernel(%arg0: i32, %arg1: memref<64x1024xf32, #tpu.memory_space<vmem>>, %arg2: memref<64x1024xf32, #tpu.memory_space<vmem>>, %arg3: memref<64x1024xf32, #tpu.memory_space<vmem>>, %arg4: memref<64x1024xf32, #tpu.memory_space<vmem>>, %arg5: memref<64x100000xf32, #tpu.memory_space<any>>, %arg6: memref<64x100000xf32, #tpu.memory_space<any>>, %arg7: memref<100000x1024xf32, #tpu.memory_space<any>>, %arg8: memref<1x1024xi32, #tpu.memory_space<vmem>>, %arg9: memref<1x1xf32, #tpu.memory_space<vmem>>, %arg10: memref<1x1024xf32, #tpu.memory_space<vmem>>, %arg11: memref<1x1024xi32, #tpu.memory_space<vmem>>, %arg12: memref<1x1xf32, #tpu.memory_space<vmem>>, %arg13: memref<64x1024xf32, #tpu.memory_space<vmem>>, %arg14: memref<64x1024xf32, #tpu.memory_space<vmem>>, %arg15: memref<64x1024xf32, #tpu.memory_space<vmem>>, %arg16: memref<64x1024xf32, #tpu.memory_space<vmem>>, %arg17: memref<1024x1024xf32, #tpu.memory_space<vmem>>, %arg18: memref<1024x1024xf32, #tpu.memory_space<vmem>>, %arg19: memref<!tpu.dma_semaphore, #tpu.memory_space<semaphore_mem>>, %arg20: memref<!tpu.dma_semaphore, #tpu.memory_space<semaphore_mem>>) attributes {dimension_semantics = [#tpu.dimension_semantics<arbitrary>], iteration_bounds = array<i64: 98>, scalar_prefetch = 0 : i64, scratch_operands = 11 : i64, tpu.core_type = #tpu.core_type<tc>, window_params = [{pipeline_mode = #tpu.pipeline_mode<synchronous>, transform_indices = @transform_0, window_bounds = array<i64: 64, 1024>}, {pipeline_mode = #tpu.pipeline_mode<synchronous>, transform_indices = @transform_1, window_bounds = array<i64: 64, 1024>}, {pipeline_mode = #tpu.pipeline_mode<synchronous>, transform_indices = @transform_2, window_bounds = array<i64: 64, 1024>}, {pipeline_mode = #tpu.pipeline_mode<synchronous>, transform_indices = @transform_3, window_bounds = array<i64: 64, 1024>}, {}, {}, {}, {pipeline_mode = #tpu.pipeline_mode<synchronous>, transform_indices = @transform_7, window_bounds = array<i64: 1, 1024>}, {pipeline_mode = #tpu.pipeline_mode<synchronous>, transform_indices = @transform_8, window_bounds = array<i64: 1, 1>}]} {
    %get3A = arith.constant 0 : index
    %get3A_0 = arith.constant 0 : index
    %get3A_1 = vector.load %arg1[%get3A, %get3A_0] : memref<64x1024xf32, #tpu.memory_space<vmem>>, vector<64x1024xf32>
    %get3A_2 = arith.constant 0 : index
    %get3A_3 = arith.constant 0 : index
    %get3A_4 = vector.load %arg2[%get3A_2, %get3A_3] : memref<64x1024xf32, #tpu.memory_space<vmem>>, vector<64x1024xf32>
    %eq3A = arith.constant 0 : i32
    %eq3A_5 = arith.cmpi eq, %arg0, %eq3A : i32
    %convert_element_type3A = arith.extui %eq3A_5 : i1 to i32
    %cond3A = arith.constant 0 : i32
    %cond3A_6 = arith.cmpi ne, %convert_element_type3A, %cond3A : i32
    scf.if %cond3A_6 {
      %broadcast_in_dim3A = arith.constant -3.000000e+38 : f32
      %broadcast_in_dim3A_55 = vector.broadcast %broadcast_in_dim3A : f32 to vector<1x1024xf32>
      %swap3A = arith.constant 0 : index
      %swap3A_56 = arith.constant 0 : index
      %swap3A_57 = vector.load %arg10[%swap3A, %swap3A_56] : memref<1x1024xf32, #tpu.memory_space<vmem>>, vector<1x1024xf32>
      tpu.vector_store %arg10[%swap3A, %swap3A_56], %broadcast_in_dim3A_55 {strides = array<i32>} : memref<1x1024xf32, #tpu.memory_space<vmem>>, vector<1x1024xf32>,
      %broadcast_in_dim3A_58 = arith.constant 0 : i32
      %broadcast_in_dim3A_59 = vector.broadcast %broadcast_in_dim3A_58 : i32 to vector<1x1024xi32>
      %swap3A_60 = arith.constant 0 : index
      %swap3A_61 = arith.constant 0 : index
      %swap3A_62 = vector.load %arg11[%swap3A_60, %swap3A_61] : memref<1x1024xi32, #tpu.memory_space<vmem>>, vector<1x1024xi32>
      tpu.vector_store %arg11[%swap3A_60, %swap3A_61], %broadcast_in_dim3A_59 {strides = array<i32>} : memref<1x1024xi32, #tpu.memory_space<vmem>>, vector<1x1024xi32>,
      %broadcast_in_dim3A_63 = arith.constant 0.000000e+00 : f32
      %broadcast_in_dim3A_64 = vector.broadcast %broadcast_in_dim3A_63 : f32 to vector<1x1xf32>
      %swap3A_65 = arith.constant 0 : index
      %swap3A_66 = arith.constant 0 : index
      %swap3A_67 = vector.load %arg12[%swap3A_65, %swap3A_66] : memref<1x1xf32, #tpu.memory_space<vmem>>, vector<1x1xf32>
      tpu.vector_store %arg12[%swap3A_65, %swap3A_66], %broadcast_in_dim3A_64 {strides = array<i32>} : memref<1x1xf32, #tpu.memory_space<vmem>>, vector<1x1xf32>,
      %mul3A_68 = arith.constant 0 : i32
      %mul3A_69 = arith.constant 1024 : i32
      %mul3A_70 = arith.muli %mul3A_68, %mul3A_69 : i32
      %min3A_71 = arith.constant 98976 : i32
      %min3A_72 = arith.minsi %mul3A_70, %min3A_71 : i32
      %multiple_of3A = tpu.assume_multiple %min3A_72, 8 : i32
      %lt3A_73 = arith.constant 0 : i32
      %lt3A_74 = arith.constant 97 : i32
      %lt3A_75 = arith.cmpi slt, %lt3A_73, %lt3A_74 : i32
      %convert_element_type3A_76 = arith.extui %lt3A_75 : i1 to i32
      %cond3A_77 = arith.constant 0 : i32
      %cond3A_78 = arith.constant 0 : i32
      %cond3A_79 = arith.cmpi ne, %convert_element_type3A_76, %cond3A_78 : i32
      scf.if %cond3A_79 {
        %mul3A_81 = arith.constant 1024 : i32
        %mul3A_82 = arith.muli %cond3A_77, %mul3A_81 : i32
        %dma_start3A_83 = arith.constant 0 : i32
        %dma_start3A_84 = tpu.memref_slice %arg5[%dma_start3A_83, %mul3A_82] : memref<64x100000xf32, #tpu.memory_space<any>> -> memref<64x1024xf32, #tpu.memory_space<any>>
        tpu.enqueue_dma source(%dma_start3A_84 : memref<64x1024xf32, #tpu.memory_space<any>>) target(%arg13 : memref<64x1024xf32, #tpu.memory_space<vmem>>) target_semaphore(%arg19 : memref<!tpu.dma_semaphore, #tpu.memory_space<semaphore_mem>>)
        %mul3A_85 = arith.constant 1024 : i32
        %mul3A_86 = arith.muli %cond3A_77, %mul3A_85 : i32
        %dma_start3A_87 = arith.constant 0 : i32
        %dma_start3A_88 = tpu.memref_slice %arg6[%dma_start3A_87, %mul3A_86] : memref<64x100000xf32, #tpu.memory_space<any>> -> memref<64x1024xf32, #tpu.memory_space<any>>
        tpu.enqueue_dma source(%dma_start3A_88 : memref<64x1024xf32, #tpu.memory_space<any>>) target(%arg15 : memref<64x1024xf32, #tpu.memory_space<vmem>>) target_semaphore(%arg19 : memref<!tpu.dma_semaphore, #tpu.memory_space<semaphore_mem>>)
      } else {
      }
      %dma_start3A = arith.constant 0 : i32
      %dma_start3A_80 = tpu.memref_slice %arg7[%multiple_of3A, %dma_start3A] : memref<100000x1024xf32, #tpu.memory_space<any>> -> memref<1024x1024xf32, #tpu.memory_space<any>>
      tpu.enqueue_dma source(%dma_start3A_80 : memref<1024x1024xf32, #tpu.memory_space<any>>) target(%arg17 : memref<1024x1024xf32, #tpu.memory_space<vmem>>) target_semaphore(%arg19 : memref<!tpu.dma_semaphore, #tpu.memory_space<semaphore_mem>>)
    } else {
    }
    %eq3A_7 = arith.constant 97 : i32
    %eq3A_8 = arith.cmpi eq, %arg0, %eq3A_7 : i32
    %convert_element_type3A_9 = arith.extui %eq3A_8 : i1 to i32
    %cond3A_10 = arith.constant 0 : i32
    %cond3A_11 = arith.cmpi ne, %convert_element_type3A_9, %cond3A_10 : i32
    scf.if %cond3A_11 {
      %get3A_55 = arith.constant 0 : index
      %get3A_56 = arith.constant 0 : index
      %get3A_57 = vector.load %arg3[%get3A_55, %get3A_56] : memref<64x1024xf32, #tpu.memory_space<vmem>>, vector<64x1024xf32>
      %swap3A = arith.constant 0 : index
      %swap3A_58 = arith.constant 0 : index
      %swap3A_59 = vector.load %arg13[%swap3A, %swap3A_58] : memref<64x1024xf32, #tpu.memory_space<vmem>>, vector<64x1024xf32>
      tpu.vector_store %arg13[%swap3A, %swap3A_58], %get3A_57 {strides = array<i32>} : memref<64x1024xf32, #tpu.memory_space<vmem>>, vector<64x1024xf32>,
      %get3A_60 = arith.constant 0 : index
      %get3A_61 = arith.constant 0 : index
      %get3A_62 = vector.load %arg4[%get3A_60, %get3A_61] : memref<64x1024xf32, #tpu.memory_space<vmem>>, vector<64x1024xf32>
      %swap3A_63 = arith.constant 0 : index
      %swap3A_64 = arith.constant 0 : index
      %swap3A_65 = vector.load %arg15[%swap3A_63, %swap3A_64] : memref<64x1024xf32, #tpu.memory_space<vmem>>, vector<64x1024xf32>
      tpu.vector_store %arg15[%swap3A_63, %swap3A_64], %get3A_62 {strides = array<i32>} : memref<64x1024xf32, #tpu.memory_space<vmem>>, vector<64x1024xf32>,
    } else {
    }
    %iota3A = tpu.iota {dimensions = array<i32: 0>} : vector<1024x1xi32>
    %convert_element_type3A_12 = arith.sitofp %iota3A : vector<1024x1xi32> to vector<1024x1xf32>
    %mul3A = arith.constant 1024 : i32
    %mul3A_13 = arith.muli %arg0, %mul3A : i32
    %min3A = arith.constant 98976 : i32
    %min3A_14 = arith.minsi %mul3A_13, %min3A : i32
    %jit3A = arith.constant 2 : i32
    %eq3A_15 = arith.constant 0 : i32
    %eq3A_16 = arith.cmpi eq, %jit3A, %eq3A_15 : i32
    %jit3A_17 = arith.constant 1 : i32
    %select_n3A = arith.select %eq3A_16, %jit3A_17, %jit3A : i32
    %rem3A = arith.remsi %arg0, %select_n3A : i32
    %ne3A = arith.constant 0 : i32
    %ne3A_18 = arith.cmpi ne, %rem3A, %ne3A : i32
    %lt3A = arith.constant 0 : i32
    %lt3A_19 = arith.cmpi slt, %rem3A, %lt3A : i32
    %lt3A_20 = arith.constant 0 : i32
    %lt3A_21 = arith.cmpi slt, %select_n3A, %lt3A_20 : i32
    %ne3A_22 = arith.xori %lt3A_19, %lt3A_21 : i1
    %and3A = arith.andi %ne3A_22, %ne3A_18 : i1
    %add3A = arith.addi %rem3A, %select_n3A : i32
    %select_n3A_23 = arith.select %and3A, %add3A, %rem3A : i32
    %eq3A_24 = arith.constant 0 : i32
    %eq3A_25 = arith.cmpi eq, %select_n3A_23, %eq3A_24 : i32
    %convert_element_type3A_26 = arith.extui %eq3A_25 : i1 to i32
    %cond3A_27 = arith.constant 0 : i32
    %cond3A_28 = arith.cmpi ne, %convert_element_type3A_26, %cond3A_27 : i32
    scf.if %cond3A_28 {
      %add3A_55 = arith.constant 1 : i32
      %add3A_56 = arith.addi %arg0, %add3A_55 : i32
      %lt3A_57 = arith.constant 98 : i32
      %lt3A_58 = arith.cmpi slt, %add3A_56, %lt3A_57 : i32
      %convert_element_type3A_59 = arith.extui %lt3A_58 : i1 to i32
      %cond3A_60 = arith.constant 0 : i32
      %cond3A_61 = arith.cmpi ne, %convert_element_type3A_59, %cond3A_60 : i32
      scf.if %cond3A_61 {
        %add3A_159 = arith.constant 1 : i32
        %add3A_160 = arith.addi %arg0, %add3A_159 : i32
        %mul3A_161 = arith.constant 1024 : i32
        %mul3A_162 = arith.muli %add3A_160, %mul3A_161 : i32
        %min3A_163 = arith.constant 98976 : i32
        %min3A_164 = arith.minsi %mul3A_162, %min3A_163 : i32
        %multiple_of3A = tpu.assume_multiple %min3A_164, 8 : i32
        %lt3A_165 = arith.constant 97 : i32
        %lt3A_166 = arith.cmpi slt, %add3A_160, %lt3A_165 : i32
        %convert_element_type3A_167 = arith.extui %lt3A_166 : i1 to i32
        %cond3A_168 = arith.constant 0 : i32
        %cond3A_169 = arith.cmpi ne, %convert_element_type3A_167, %cond3A_168 : i32
        scf.if %cond3A_169 {
          %mul3A_171 = arith.constant 1024 : i32
          %mul3A_172 = arith.muli %add3A_160, %mul3A_171 : i32
          %dma_start3A_173 = arith.constant 0 : i32
          %dma_start3A_174 = tpu.memref_slice %arg5[%dma_start3A_173, %mul3A_172] : memref<64x100000xf32, #tpu.memory_space<any>> -> memref<64x1024xf32, #tpu.memory_space<any>>
          tpu.enqueue_dma source(%dma_start3A_174 : memref<64x1024xf32, #tpu.memory_space<any>>) target(%arg14 : memref<64x1024xf32, #tpu.memory_space<vmem>>) target_semaphore(%arg20 : memref<!tpu.dma_semaphore, #tpu.memory_space<semaphore_mem>>)
          %mul3A_175 = arith.constant 1024 : i32
          %mul3A_176 = arith.muli %add3A_160, %mul3A_175 : i32
          %dma_start3A_177 = arith.constant 0 : i32
          %dma_start3A_178 = tpu.memref_slice %arg6[%dma_start3A_177, %mul3A_176] : memref<64x100000xf32, #tpu.memory_space<any>> -> memref<64x1024xf32, #tpu.memory_space<any>>
          tpu.enqueue_dma source(%dma_start3A_178 : memref<64x1024xf32, #tpu.memory_space<any>>) target(%arg16 : memref<64x1024xf32, #tpu.memory_space<vmem>>) target_semaphore(%arg20 : memref<!tpu.dma_semaphore, #tpu.memory_space<semaphore_mem>>)
        } else {
        }
        %dma_start3A = arith.constant 0 : i32
        %dma_start3A_170 = tpu.memref_slice %arg7[%multiple_of3A, %dma_start3A] : memref<100000x1024xf32, #tpu.memory_space<any>> -> memref<1024x1024xf32, #tpu.memory_space<any>>
        tpu.enqueue_dma source(%dma_start3A_170 : memref<1024x1024xf32, #tpu.memory_space<any>>) target(%arg18 : memref<1024x1024xf32, #tpu.memory_space<vmem>>) target_semaphore(%arg20 : memref<!tpu.dma_semaphore, #tpu.memory_space<semaphore_mem>>)
      } else {
      }
      %lt3A_62 = arith.constant 97 : i32
      %lt3A_63 = arith.cmpi slt, %arg0, %lt3A_62 : i32
      %convert_element_type3A_64 = arith.extui %lt3A_63 : i1 to i32
      %cond3A_65 = arith.constant 0 : i32
      %cond3A_66 = arith.cmpi ne, %convert_element_type3A_64, %cond3A_65 : i32
      scf.if %cond3A_66 {
        %dma_wait3A_159 = arith.constant 0 : i32
        %dma_wait3A_160 = arith.constant 0 : i32
        %dma_wait3A_161 = tpu.memref_slice %arg5[%dma_wait3A_159, %dma_wait3A_160] : memref<64x100000xf32, #tpu.memory_space<any>> -> memref<64x1024xf32, #tpu.memory_space<any>>
        tpu.wait_dma2 semaphore(%arg19 : memref<!tpu.dma_semaphore, #tpu.memory_space<semaphore_mem>>) src(%dma_wait3A_161 : memref<64x1024xf32, #tpu.memory_space<any>>) dst(%arg13 : memref<64x1024xf32, #tpu.memory_space<vmem>>)
        %dma_wait3A_162 = arith.constant 0 : i32
        %dma_wait3A_163 = arith.constant 0 : i32
        %dma_wait3A_164 = tpu.memref_slice %arg6[%dma_wait3A_162, %dma_wait3A_163] : memref<64x100000xf32, #tpu.memory_space<any>> -> memref<64x1024xf32, #tpu.memory_space<any>>
        tpu.wait_dma2 semaphore(%arg19 : memref<!tpu.dma_semaphore, #tpu.memory_space<semaphore_mem>>) src(%dma_wait3A_164 : memref<64x1024xf32, #tpu.memory_space<any>>) dst(%arg15 : memref<64x1024xf32, #tpu.memory_space<vmem>>)
      } else {
      }
      %dma_wait3A = arith.constant 0 : i32
      %dma_wait3A_67 = arith.constant 0 : i32
      %dma_wait3A_68 = tpu.memref_slice %arg7[%dma_wait3A, %dma_wait3A_67] : memref<100000x1024xf32, #tpu.memory_space<any>> -> memref<1024x1024xf32, #tpu.memory_space<any>>
      tpu.wait_dma2 semaphore(%arg19 : memref<!tpu.dma_semaphore, #tpu.memory_space<semaphore_mem>>) src(%dma_wait3A_68 : memref<1024x1024xf32, #tpu.memory_space<any>>) dst(%arg17 : memref<1024x1024xf32, #tpu.memory_space<vmem>>)
      %get3A_69 = arith.constant 0 : index
      %get3A_70 = arith.constant 0 : index
      %get3A_71 = vector.load %arg13[%get3A_69, %get3A_70] : memref<64x1024xf32, #tpu.memory_space<vmem>>, vector<64x1024xf32>
      %get3A_72 = arith.constant 0 : index
      %get3A_73 = arith.constant 0 : index
      %get3A_74 = vector.load %arg15[%get3A_72, %get3A_73] : memref<64x1024xf32, #tpu.memory_space<vmem>>, vector<64x1024xf32>
      %get3A_75 = arith.constant 0 : index
      %get3A_76 = arith.constant 0 : index
      %get3A_77 = vector.load %arg17[%get3A_75, %get3A_76] : memref<1024x1024xf32, #tpu.memory_space<vmem>>, vector<1024x1024xf32>
      %dot_general3A = arith.constant dense<0.000000e+00> : vector<1024x1024xf32>
      %dot_general3A_78 = tpu.matmul %get3A_71, %get3A_1, %dot_general3A {dimension_numbers = #tpu.dot_dimension_numbers<[0], [0], [1], [1], [0, 1, 1, 1], [], []>, transpose_lhs_hint = false} : vector<64x1024xf32>, vector<64x1024xf32>, vector<1024x1024xf32> -> vector<1024x1024xf32>
      %dot_general3A_79 = arith.constant dense<0.000000e+00> : vector<1024x1024xf32>
      %dot_general3A_80 = tpu.matmul %get3A_74, %get3A_4, %dot_general3A_79 {dimension_numbers = #tpu.dot_dimension_numbers<[0], [0], [1], [1], [0, 1, 1, 1], [], []>, transpose_lhs_hint = false} : vector<64x1024xf32>, vector<64x1024xf32>, vector<1024x1024xf32> -> vector<1024x1024xf32>
      %broadcast_in_dim3A = arith.constant 1.000000e+00 : f32
      %broadcast_in_dim3A_81 = vector.broadcast %broadcast_in_dim3A : f32 to vector<64x1xf32>
      %mul3A_82 = arith.mulf %get3A_74, %get3A_74 : vector<64x1024xf32>
      %dot_general3A_83 = arith.constant dense<0.000000e+00> : vector<1024x1xf32>
      %dot_general3A_84 = tpu.matmul %mul3A_82, %broadcast_in_dim3A_81, %dot_general3A_83 {dimension_numbers = #tpu.dot_dimension_numbers<[0], [0], [1], [1], [0, 1, 1, 1], [], []>, precision = #tpu.contract_precision<fp32>, transpose_lhs_hint = false} : vector<64x1024xf32>, vector<64x1xf32>, vector<1024x1xf32> -> vector<1024x1xf32>
      %broadcast_in_dim3A_85 = arith.constant 1.000000e+00 : f32
      %broadcast_in_dim3A_86 = vector.broadcast %broadcast_in_dim3A_85 : f32 to vector<1x64xf32>
      %mul3A_87 = arith.mulf %get3A_4, %get3A_4 : vector<64x1024xf32>
      %dot_general3A_88 = arith.constant dense<0.000000e+00> : vector<1x1024xf32>
      %dot_general3A_89 = tpu.matmul %broadcast_in_dim3A_86, %mul3A_87, %dot_general3A_88 {dimension_numbers = #tpu.dot_dimension_numbers<[1], [0], [0], [1], [0, 0, 1, 1], [], []>, precision = #tpu.contract_precision<fp32>, transpose_lhs_hint = false} : vector<1x64xf32>, vector<64x1024xf32>, vector<1x1024xf32> -> vector<1x1024xf32>
      %mul3A_90 = arith.constant 5.000000e-01 : f32
      %mul3A_91 = vector.broadcast %mul3A_90 : f32 to vector<1024x1xf32>
      %mul3A_92 = arith.mulf %mul3A_91, %dot_general3A_84 : vector<1024x1xf32>
      %mul3A_93 = arith.constant 5.000000e-01 : f32
      %mul3A_94 = vector.broadcast %mul3A_93 : f32 to vector<1x1024xf32>
      %mul3A_95 = arith.mulf %mul3A_94, %dot_general3A_89 : vector<1x1024xf32>
      %sub3A = arith.constant 5.000000e-02 : f32
      %sub3A_96 = vector.broadcast %sub3A : f32 to vector<1x1024xf32>
      %sub3A_97 = arith.subf %mul3A_95, %sub3A_96 : vector<1x1024xf32>
      %sub3A_98 = vector.broadcast %mul3A_92 : vector<1024x1xf32> to vector<1024x1024xf32>
      %sub3A_99 = arith.subf %dot_general3A_80, %sub3A_98 : vector<1024x1024xf32>
      %gt3A = vector.broadcast %sub3A_97 : vector<1x1024xf32> to vector<1024x1024xf32>
      %gt3A_100 = arith.cmpf ogt, %sub3A_99, %gt3A : vector<1024x1024xf32>
      %gt3A_101 = arith.constant 0.000000e+00 : f32
      %gt3A_102 = vector.broadcast %gt3A_101 : f32 to vector<1024x1024xf32>
      %gt3A_103 = arith.cmpf ogt, %dot_general3A_78, %gt3A_102 : vector<1024x1024xf32>
      %and3A_104 = arith.andi %gt3A_100, %gt3A_103 : vector<1024x1024xi1>
      %add3A_105 = arith.addf %dot_general3A_78, %dot_general3A_80 : vector<1024x1024xf32>
      %add3A_106 = arith.addf %add3A_105, %get3A_77 : vector<1024x1024xf32>
      %select_n3A_107 = arith.select %and3A_104, %add3A_106, %get3A_77 : vector<1024x1024xi1>, vector<1024x1024xf32>
      %reduce_max3A = arith.constant dense<0xFF800000> : vector<1024xf32>
      %reduce_max3A_108 = vector.multi_reduction <maximumf>, %select_n3A_107, %reduce_max3A [0] : vector<1024x1024xf32> to vector<1024xf32>
      %broadcast_in_dim3A_109 = vector.shape_cast %reduce_max3A_108 : vector<1024xf32> to vector<1x1024xf32>
      %eq3A_110 = vector.broadcast %broadcast_in_dim3A_109 : vector<1x1024xf32> to vector<1024x1024xf32>
      %eq3A_111 = arith.cmpf oeq, %select_n3A_107, %eq3A_110 : vector<1024x1024xf32>
      %jit3A_112 = arith.constant 3.000000e+38 : f32
      %broadcast_in_dim3A_113 = vector.shape_cast %convert_element_type3A_12 : vector<1024x1xf32> to vector<1024x1xf32>
      %broadcast_in_dim3A_114 = vector.broadcast %broadcast_in_dim3A_113 : vector<1024x1xf32> to vector<1024x1024xf32>
      %broadcast_in_dim3A_115 = vector.broadcast %jit3A_112 : f32 to vector<1024x1024xf32>
      %select_n3A_116 = arith.select %eq3A_111, %broadcast_in_dim3A_114, %broadcast_in_dim3A_115 : vector<1024x1024xi1>, vector<1024x1024xf32>
      %reduce_min3A = arith.constant dense<0x7F800000> : vector<1024xf32>
      %reduce_min3A_117 = vector.multi_reduction <minimumf>, %select_n3A_116, %reduce_min3A [0] : vector<1024x1024xf32> to vector<1024xf32>
      %broadcast_in_dim3A_118 = vector.shape_cast %reduce_min3A_117 : vector<1024xf32> to vector<1x1024xf32>
      %convert_element_type3A_119 = arith.fptosi %broadcast_in_dim3A_118 : vector<1x1024xf32> to vector<1x1024xi32>
      %reduce_or3A = arith.constant 1.000000e+00 : f32
      %reduce_or3A_120 = arith.constant 0.000000e+00 : f32
      %reduce_or3A_121 = vector.broadcast %reduce_or3A : f32 to vector<1024x1024xf32>
      %reduce_or3A_122 = vector.broadcast %reduce_or3A_120 : f32 to vector<1024x1024xf32>
      %reduce_or3A_123 = arith.select %and3A_104, %reduce_or3A_121, %reduce_or3A_122 : vector<1024x1024xi1>, vector<1024x1024xf32>
      %reduce_or3A_124 = vector.shape_cast %reduce_or3A_123 : vector<1024x1024xf32> to vector<1x1024x1024xf32>
      %reduce_or3A_125 = arith.constant dense<0xFF800000> : vector<1xf32>
      %reduce_or3A_126 = vector.multi_reduction <maximumf>, %reduce_or3A_124, %reduce_or3A_125 [1, 2] : vector<1x1024x1024xf32> to vector<1xf32>
      %reduce_or3A_127 = vector.shape_cast %reduce_or3A_126 : vector<1xf32> to vector<1x1x1xf32>
      %reduce_or3A_128 = vector.extract %reduce_or3A_127[0, 0, 0] : f32 from vector<1x1x1xf32>
      %reduce_or3A_129 = arith.constant 0.000000e+00 : f32
      %reduce_or3A_130 = arith.cmpf ogt, %reduce_or3A_128, %reduce_or3A_129 : f32
      %add3A_131 = vector.broadcast %min3A_14 : i32 to vector<1x1024xi32>
      %add3A_132 = arith.addi %convert_element_type3A_119, %add3A_131 : vector<1x1024xi32>
      %get3A_133 = arith.constant 0 : index
      %get3A_134 = arith.constant 0 : index
      %get3A_135 = vector.load %arg10[%get3A_133, %get3A_134] : memref<1x1024xf32, #tpu.memory_space<vmem>>, vector<1x1024xf32>
      %gt3A_136 = arith.cmpf ogt, %broadcast_in_dim3A_109, %get3A_135 : vector<1x1024xf32>
      %get3A_137 = arith.constant 0 : index
      %get3A_138 = arith.constant 0 : index
      %get3A_139 = vector.load %arg10[%get3A_137, %get3A_138] : memref<1x1024xf32, #tpu.memory_space<vmem>>, vector<1x1024xf32>
      %select_n3A_140 = arith.select %gt3A_136, %broadcast_in_dim3A_109, %get3A_139 : vector<1x1024xi1>, vector<1x1024xf32>
      %swap3A = arith.constant 0 : index
      %swap3A_141 = arith.constant 0 : index
      %swap3A_142 = vector.load %arg10[%swap3A, %swap3A_141] : memref<1x1024xf32, #tpu.memory_space<vmem>>, vector<1x1024xf32>
      tpu.vector_store %arg10[%swap3A, %swap3A_141], %select_n3A_140 {strides = array<i32>} : memref<1x1024xf32, #tpu.memory_space<vmem>>, vector<1x1024xf32>,
      %get3A_143 = arith.constant 0 : index
      %get3A_144 = arith.constant 0 : index
      %get3A_145 = vector.load %arg11[%get3A_143, %get3A_144] : memref<1x1024xi32, #tpu.memory_space<vmem>>, vector<1x1024xi32>
      %select_n3A_146 = arith.select %gt3A_136, %add3A_132, %get3A_145 : vector<1x1024xi1>, vector<1x1024xi32>
      %swap3A_147 = arith.constant 0 : index
      %swap3A_148 = arith.constant 0 : index
      %swap3A_149 = vector.load %arg11[%swap3A_147, %swap3A_148] : memref<1x1024xi32, #tpu.memory_space<vmem>>, vector<1x1024xi32>
      tpu.vector_store %arg11[%swap3A_147, %swap3A_148], %select_n3A_146 {strides = array<i32>} : memref<1x1024xi32, #tpu.memory_space<vmem>>, vector<1x1024xi32>,
      %get3A_150 = arith.constant 0 : index
      %get3A_151 = arith.constant 0 : index
      %get3A_152 = vector.load %arg12[%get3A_150, %get3A_151] : memref<1x1xf32, #tpu.memory_space<vmem>>, vector<1x1xf32>
      %convert_element_type3A_153 = arith.extui %reduce_or3A_130 : i1 to i32
      %convert_element_type3A_154 = arith.sitofp %convert_element_type3A_153 : i32 to f32
      %max3A = vector.broadcast %convert_element_type3A_154 : f32 to vector<1x1xf32>
      %max3A_155 = arith.maximumf %get3A_152, %max3A : vector<1x1xf32>
      %swap3A_156 = arith.constant 0 : index
      %swap3A_157 = arith.constant 0 : index
      %swap3A_158 = vector.load %arg12[%swap3A_156, %swap3A_157] : memref<1x1xf32, #tpu.memory_space<vmem>>, vector<1x1xf32>
      tpu.vector_store %arg12[%swap3A_156, %swap3A_157], %max3A_155 {strides = array<i32>} : memref<1x1xf32, #tpu.memory_space<vmem>>, vector<1x1xf32>,
    } else {
    }
    %jit3A_29 = arith.constant 2 : i32
    %eq3A_30 = arith.constant 0 : i32
    %eq3A_31 = arith.cmpi eq, %jit3A_29, %eq3A_30 : i32
    %jit3A_32 = arith.constant 1 : i32
    %select_n3A_33 = arith.select %eq3A_31, %jit3A_32, %jit3A_29 : i32
    %rem3A_34 = arith.remsi %arg0, %select_n3A_33 : i32
    %ne3A_35 = arith.constant 0 : i32
    %ne3A_36 = arith.cmpi ne, %rem3A_34, %ne3A_35 : i32
    %lt3A_37 = arith.constant 0 : i32
    %lt3A_38 = arith.cmpi slt, %rem3A_34, %lt3A_37 : i32
    %lt3A_39 = arith.constant 0 : i32
    %lt3A_40 = arith.cmpi slt, %select_n3A_33, %lt3A_39 : i32
    %ne3A_41 = arith.xori %lt3A_38, %lt3A_40 : i1
    %and3A_42 = arith.andi %ne3A_41, %ne3A_36 : i1
    %add3A_43 = arith.addi %rem3A_34, %select_n3A_33 : i32
    %select_n3A_44 = arith.select %and3A_42, %add3A_43, %rem3A_34 : i32
    %eq3A_45 = arith.constant 1 : i32
    %eq3A_46 = arith.cmpi eq, %select_n3A_44, %eq3A_45 : i32
    %convert_element_type3A_47 = arith.extui %eq3A_46 : i1 to i32
    %cond3A_48 = arith.constant 0 : i32
    %cond3A_49 = arith.cmpi ne, %convert_element_type3A_47, %cond3A_48 : i32
    scf.if %cond3A_49 {
      %add3A_55 = arith.constant 1 : i32
      %add3A_56 = arith.addi %arg0, %add3A_55 : i32
      %lt3A_57 = arith.constant 98 : i32
      %lt3A_58 = arith.cmpi slt, %add3A_56, %lt3A_57 : i32
      %convert_element_type3A_59 = arith.extui %lt3A_58 : i1 to i32
      %cond3A_60 = arith.constant 0 : i32
      %cond3A_61 = arith.cmpi ne, %convert_element_type3A_59, %cond3A_60 : i32
      scf.if %cond3A_61 {
        %add3A_159 = arith.constant 1 : i32
        %add3A_160 = arith.addi %arg0, %add3A_159 : i32
        %mul3A_161 = arith.constant 1024 : i32
        %mul3A_162 = arith.muli %add3A_160, %mul3A_161 : i32
        %min3A_163 = arith.constant 98976 : i32
        %min3A_164 = arith.minsi %mul3A_162, %min3A_163 : i32
        %multiple_of3A = tpu.assume_multiple %min3A_164, 8 : i32
        %lt3A_165 = arith.constant 97 : i32
        %lt3A_166 = arith.cmpi slt, %add3A_160, %lt3A_165 : i32
        %convert_element_type3A_167 = arith.extui %lt3A_166 : i1 to i32
        %cond3A_168 = arith.constant 0 : i32
        %cond3A_169 = arith.cmpi ne, %convert_element_type3A_167, %cond3A_168 : i32
        scf.if %cond3A_169 {
          %mul3A_171 = arith.constant 1024 : i32
          %mul3A_172 = arith.muli %add3A_160, %mul3A_171 : i32
          %dma_start3A_173 = arith.constant 0 : i32
          %dma_start3A_174 = tpu.memref_slice %arg5[%dma_start3A_173, %mul3A_172] : memref<64x100000xf32, #tpu.memory_space<any>> -> memref<64x1024xf32, #tpu.memory_space<any>>
          tpu.enqueue_dma source(%dma_start3A_174 : memref<64x1024xf32, #tpu.memory_space<any>>) target(%arg13 : memref<64x1024xf32, #tpu.memory_space<vmem>>) target_semaphore(%arg19 : memref<!tpu.dma_semaphore, #tpu.memory_space<semaphore_mem>>)
          %mul3A_175 = arith.constant 1024 : i32
          %mul3A_176 = arith.muli %add3A_160, %mul3A_175 : i32
          %dma_start3A_177 = arith.constant 0 : i32
          %dma_start3A_178 = tpu.memref_slice %arg6[%dma_start3A_177, %mul3A_176] : memref<64x100000xf32, #tpu.memory_space<any>> -> memref<64x1024xf32, #tpu.memory_space<any>>
          tpu.enqueue_dma source(%dma_start3A_178 : memref<64x1024xf32, #tpu.memory_space<any>>) target(%arg15 : memref<64x1024xf32, #tpu.memory_space<vmem>>) target_semaphore(%arg19 : memref<!tpu.dma_semaphore, #tpu.memory_space<semaphore_mem>>)
        } else {
        }
        %dma_start3A = arith.constant 0 : i32
        %dma_start3A_170 = tpu.memref_slice %arg7[%multiple_of3A, %dma_start3A] : memref<100000x1024xf32, #tpu.memory_space<any>> -> memref<1024x1024xf32, #tpu.memory_space<any>>
        tpu.enqueue_dma source(%dma_start3A_170 : memref<1024x1024xf32, #tpu.memory_space<any>>) target(%arg17 : memref<1024x1024xf32, #tpu.memory_space<vmem>>) target_semaphore(%arg19 : memref<!tpu.dma_semaphore, #tpu.memory_space<semaphore_mem>>)
      } else {
      }
      %lt3A_62 = arith.constant 97 : i32
      %lt3A_63 = arith.cmpi slt, %arg0, %lt3A_62 : i32
      %convert_element_type3A_64 = arith.extui %lt3A_63 : i1 to i32
      %cond3A_65 = arith.constant 0 : i32
      %cond3A_66 = arith.cmpi ne, %convert_element_type3A_64, %cond3A_65 : i32
      scf.if %cond3A_66 {
        %dma_wait3A_159 = arith.constant 0 : i32
        %dma_wait3A_160 = arith.constant 0 : i32
        %dma_wait3A_161 = tpu.memref_slice %arg5[%dma_wait3A_159, %dma_wait3A_160] : memref<64x100000xf32, #tpu.memory_space<any>> -> memref<64x1024xf32, #tpu.memory_space<any>>
        tpu.wait_dma2 semaphore(%arg20 : memref<!tpu.dma_semaphore, #tpu.memory_space<semaphore_mem>>) src(%dma_wait3A_161 : memref<64x1024xf32, #tpu.memory_space<any>>) dst(%arg14 : memref<64x1024xf32, #tpu.memory_space<vmem>>)
        %dma_wait3A_162 = arith.constant 0 : i32
        %dma_wait3A_163 = arith.constant 0 : i32
        %dma_wait3A_164 = tpu.memref_slice %arg6[%dma_wait3A_162, %dma_wait3A_163] : memref<64x100000xf32, #tpu.memory_space<any>> -> memref<64x1024xf32, #tpu.memory_space<any>>
        tpu.wait_dma2 semaphore(%arg20 : memref<!tpu.dma_semaphore, #tpu.memory_space<semaphore_mem>>) src(%dma_wait3A_164 : memref<64x1024xf32, #tpu.memory_space<any>>) dst(%arg16 : memref<64x1024xf32, #tpu.memory_space<vmem>>)
      } else {
      }
      %dma_wait3A = arith.constant 0 : i32
      %dma_wait3A_67 = arith.constant 0 : i32
      %dma_wait3A_68 = tpu.memref_slice %arg7[%dma_wait3A, %dma_wait3A_67] : memref<100000x1024xf32, #tpu.memory_space<any>> -> memref<1024x1024xf32, #tpu.memory_space<any>>
      tpu.wait_dma2 semaphore(%arg20 : memref<!tpu.dma_semaphore, #tpu.memory_space<semaphore_mem>>) src(%dma_wait3A_68 : memref<1024x1024xf32, #tpu.memory_space<any>>) dst(%arg18 : memref<1024x1024xf32, #tpu.memory_space<vmem>>)
      %get3A_69 = arith.constant 0 : index
      %get3A_70 = arith.constant 0 : index
      %get3A_71 = vector.load %arg14[%get3A_69, %get3A_70] : memref<64x1024xf32, #tpu.memory_space<vmem>>, vector<64x1024xf32>
      %get3A_72 = arith.constant 0 : index
      %get3A_73 = arith.constant 0 : index
      %get3A_74 = vector.load %arg16[%get3A_72, %get3A_73] : memref<64x1024xf32, #tpu.memory_space<vmem>>, vector<64x1024xf32>
      %get3A_75 = arith.constant 0 : index
      %get3A_76 = arith.constant 0 : index
      %get3A_77 = vector.load %arg18[%get3A_75, %get3A_76] : memref<1024x1024xf32, #tpu.memory_space<vmem>>, vector<1024x1024xf32>
      %dot_general3A = arith.constant dense<0.000000e+00> : vector<1024x1024xf32>
      %dot_general3A_78 = tpu.matmul %get3A_71, %get3A_1, %dot_general3A {dimension_numbers = #tpu.dot_dimension_numbers<[0], [0], [1], [1], [0, 1, 1, 1], [], []>, transpose_lhs_hint = false} : vector<64x1024xf32>, vector<64x1024xf32>, vector<1024x1024xf32> -> vector<1024x1024xf32>
      %dot_general3A_79 = arith.constant dense<0.000000e+00> : vector<1024x1024xf32>
      %dot_general3A_80 = tpu.matmul %get3A_74, %get3A_4, %dot_general3A_79 {dimension_numbers = #tpu.dot_dimension_numbers<[0], [0], [1], [1], [0, 1, 1, 1], [], []>, transpose_lhs_hint = false} : vector<64x1024xf32>, vector<64x1024xf32>, vector<1024x1024xf32> -> vector<1024x1024xf32>
      %broadcast_in_dim3A = arith.constant 1.000000e+00 : f32
      %broadcast_in_dim3A_81 = vector.broadcast %broadcast_in_dim3A : f32 to vector<64x1xf32>
      %mul3A_82 = arith.mulf %get3A_74, %get3A_74 : vector<64x1024xf32>
      %dot_general3A_83 = arith.constant dense<0.000000e+00> : vector<1024x1xf32>
      %dot_general3A_84 = tpu.matmul %mul3A_82, %broadcast_in_dim3A_81, %dot_general3A_83 {dimension_numbers = #tpu.dot_dimension_numbers<[0], [0], [1], [1], [0, 1, 1, 1], [], []>, precision = #tpu.contract_precision<fp32>, transpose_lhs_hint = false} : vector<64x1024xf32>, vector<64x1xf32>, vector<1024x1xf32> -> vector<1024x1xf32>
      %broadcast_in_dim3A_85 = arith.constant 1.000000e+00 : f32
      %broadcast_in_dim3A_86 = vector.broadcast %broadcast_in_dim3A_85 : f32 to vector<1x64xf32>
      %mul3A_87 = arith.mulf %get3A_4, %get3A_4 : vector<64x1024xf32>
      %dot_general3A_88 = arith.constant dense<0.000000e+00> : vector<1x1024xf32>
      %dot_general3A_89 = tpu.matmul %broadcast_in_dim3A_86, %mul3A_87, %dot_general3A_88 {dimension_numbers = #tpu.dot_dimension_numbers<[1], [0], [0], [1], [0, 0, 1, 1], [], []>, precision = #tpu.contract_precision<fp32>, transpose_lhs_hint = false} : vector<1x64xf32>, vector<64x1024xf32>, vector<1x1024xf32> -> vector<1x1024xf32>
      %mul3A_90 = arith.constant 5.000000e-01 : f32
      %mul3A_91 = vector.broadcast %mul3A_90 : f32 to vector<1024x1xf32>
      %mul3A_92 = arith.mulf %mul3A_91, %dot_general3A_84 : vector<1024x1xf32>
      %mul3A_93 = arith.constant 5.000000e-01 : f32
      %mul3A_94 = vector.broadcast %mul3A_93 : f32 to vector<1x1024xf32>
      %mul3A_95 = arith.mulf %mul3A_94, %dot_general3A_89 : vector<1x1024xf32>
      %sub3A = arith.constant 5.000000e-02 : f32
      %sub3A_96 = vector.broadcast %sub3A : f32 to vector<1x1024xf32>
      %sub3A_97 = arith.subf %mul3A_95, %sub3A_96 : vector<1x1024xf32>
      %sub3A_98 = vector.broadcast %mul3A_92 : vector<1024x1xf32> to vector<1024x1024xf32>
      %sub3A_99 = arith.subf %dot_general3A_80, %sub3A_98 : vector<1024x1024xf32>
      %gt3A = vector.broadcast %sub3A_97 : vector<1x1024xf32> to vector<1024x1024xf32>
      %gt3A_100 = arith.cmpf ogt, %sub3A_99, %gt3A : vector<1024x1024xf32>
      %gt3A_101 = arith.constant 0.000000e+00 : f32
      %gt3A_102 = vector.broadcast %gt3A_101 : f32 to vector<1024x1024xf32>
      %gt3A_103 = arith.cmpf ogt, %dot_general3A_78, %gt3A_102 : vector<1024x1024xf32>
      %and3A_104 = arith.andi %gt3A_100, %gt3A_103 : vector<1024x1024xi1>
      %add3A_105 = arith.addf %dot_general3A_78, %dot_general3A_80 : vector<1024x1024xf32>
      %add3A_106 = arith.addf %add3A_105, %get3A_77 : vector<1024x1024xf32>
      %select_n3A_107 = arith.select %and3A_104, %add3A_106, %get3A_77 : vector<1024x1024xi1>, vector<1024x1024xf32>
      %reduce_max3A = arith.constant dense<0xFF800000> : vector<1024xf32>
      %reduce_max3A_108 = vector.multi_reduction <maximumf>, %select_n3A_107, %reduce_max3A [0] : vector<1024x1024xf32> to vector<1024xf32>
      %broadcast_in_dim3A_109 = vector.shape_cast %reduce_max3A_108 : vector<1024xf32> to vector<1x1024xf32>
      %eq3A_110 = vector.broadcast %broadcast_in_dim3A_109 : vector<1x1024xf32> to vector<1024x1024xf32>
      %eq3A_111 = arith.cmpf oeq, %select_n3A_107, %eq3A_110 : vector<1024x1024xf32>
      %jit3A_112 = arith.constant 3.000000e+38 : f32
      %broadcast_in_dim3A_113 = vector.shape_cast %convert_element_type3A_12 : vector<1024x1xf32> to vector<1024x1xf32>
      %broadcast_in_dim3A_114 = vector.broadcast %broadcast_in_dim3A_113 : vector<1024x1xf32> to vector<1024x1024xf32>
      %broadcast_in_dim3A_115 = vector.broadcast %jit3A_112 : f32 to vector<1024x1024xf32>
      %select_n3A_116 = arith.select %eq3A_111, %broadcast_in_dim3A_114, %broadcast_in_dim3A_115 : vector<1024x1024xi1>, vector<1024x1024xf32>
      %reduce_min3A = arith.constant dense<0x7F800000> : vector<1024xf32>
      %reduce_min3A_117 = vector.multi_reduction <minimumf>, %select_n3A_116, %reduce_min3A [0] : vector<1024x1024xf32> to vector<1024xf32>
      %broadcast_in_dim3A_118 = vector.shape_cast %reduce_min3A_117 : vector<1024xf32> to vector<1x1024xf32>
      %convert_element_type3A_119 = arith.fptosi %broadcast_in_dim3A_118 : vector<1x1024xf32> to vector<1x1024xi32>
      %reduce_or3A = arith.constant 1.000000e+00 : f32
      %reduce_or3A_120 = arith.constant 0.000000e+00 : f32
      %reduce_or3A_121 = vector.broadcast %reduce_or3A : f32 to vector<1024x1024xf32>
      %reduce_or3A_122 = vector.broadcast %reduce_or3A_120 : f32 to vector<1024x1024xf32>
      %reduce_or3A_123 = arith.select %and3A_104, %reduce_or3A_121, %reduce_or3A_122 : vector<1024x1024xi1>, vector<1024x1024xf32>
      %reduce_or3A_124 = vector.shape_cast %reduce_or3A_123 : vector<1024x1024xf32> to vector<1x1024x1024xf32>
      %reduce_or3A_125 = arith.constant dense<0xFF800000> : vector<1xf32>
      %reduce_or3A_126 = vector.multi_reduction <maximumf>, %reduce_or3A_124, %reduce_or3A_125 [1, 2] : vector<1x1024x1024xf32> to vector<1xf32>
      %reduce_or3A_127 = vector.shape_cast %reduce_or3A_126 : vector<1xf32> to vector<1x1x1xf32>
      %reduce_or3A_128 = vector.extract %reduce_or3A_127[0, 0, 0] : f32 from vector<1x1x1xf32>
      %reduce_or3A_129 = arith.constant 0.000000e+00 : f32
      %reduce_or3A_130 = arith.cmpf ogt, %reduce_or3A_128, %reduce_or3A_129 : f32
      %add3A_131 = vector.broadcast %min3A_14 : i32 to vector<1x1024xi32>
      %add3A_132 = arith.addi %convert_element_type3A_119, %add3A_131 : vector<1x1024xi32>
      %get3A_133 = arith.constant 0 : index
      %get3A_134 = arith.constant 0 : index
      %get3A_135 = vector.load %arg10[%get3A_133, %get3A_134] : memref<1x1024xf32, #tpu.memory_space<vmem>>, vector<1x1024xf32>
      %gt3A_136 = arith.cmpf ogt, %broadcast_in_dim3A_109, %get3A_135 : vector<1x1024xf32>
      %get3A_137 = arith.constant 0 : index
      %get3A_138 = arith.constant 0 : index
      %get3A_139 = vector.load %arg10[%get3A_137, %get3A_138] : memref<1x1024xf32, #tpu.memory_space<vmem>>, vector<1x1024xf32>
      %select_n3A_140 = arith.select %gt3A_136, %broadcast_in_dim3A_109, %get3A_139 : vector<1x1024xi1>, vector<1x1024xf32>
      %swap3A = arith.constant 0 : index
      %swap3A_141 = arith.constant 0 : index
      %swap3A_142 = vector.load %arg10[%swap3A, %swap3A_141] : memref<1x1024xf32, #tpu.memory_space<vmem>>, vector<1x1024xf32>
      tpu.vector_store %arg10[%swap3A, %swap3A_141], %select_n3A_140 {strides = array<i32>} : memref<1x1024xf32, #tpu.memory_space<vmem>>, vector<1x1024xf32>,
      %get3A_143 = arith.constant 0 : index
      %get3A_144 = arith.constant 0 : index
      %get3A_145 = vector.load %arg11[%get3A_143, %get3A_144] : memref<1x1024xi32, #tpu.memory_space<vmem>>, vector<1x1024xi32>
      %select_n3A_146 = arith.select %gt3A_136, %add3A_132, %get3A_145 : vector<1x1024xi1>, vector<1x1024xi32>
      %swap3A_147 = arith.constant 0 : index
      %swap3A_148 = arith.constant 0 : index
      %swap3A_149 = vector.load %arg11[%swap3A_147, %swap3A_148] : memref<1x1024xi32, #tpu.memory_space<vmem>>, vector<1x1024xi32>
      tpu.vector_store %arg11[%swap3A_147, %swap3A_148], %select_n3A_146 {strides = array<i32>} : memref<1x1024xi32, #tpu.memory_space<vmem>>, vector<1x1024xi32>,
      %get3A_150 = arith.constant 0 : index
      %get3A_151 = arith.constant 0 : index
      %get3A_152 = vector.load %arg12[%get3A_150, %get3A_151] : memref<1x1xf32, #tpu.memory_space<vmem>>, vector<1x1xf32>
      %convert_element_type3A_153 = arith.extui %reduce_or3A_130 : i1 to i32
      %convert_element_type3A_154 = arith.sitofp %convert_element_type3A_153 : i32 to f32
      %max3A = vector.broadcast %convert_element_type3A_154 : f32 to vector<1x1xf32>
      %max3A_155 = arith.maximumf %get3A_152, %max3A : vector<1x1xf32>
      %swap3A_156 = arith.constant 0 : index
      %swap3A_157 = arith.constant 0 : index
      %swap3A_158 = vector.load %arg12[%swap3A_156, %swap3A_157] : memref<1x1xf32, #tpu.memory_space<vmem>>, vector<1x1xf32>
      tpu.vector_store %arg12[%swap3A_156, %swap3A_157], %max3A_155 {strides = array<i32>} : memref<1x1xf32, #tpu.memory_space<vmem>>, vector<1x1xf32>,
    } else {
    }
    %eq3A_50 = arith.constant 97 : i32
    %eq3A_51 = arith.cmpi eq, %arg0, %eq3A_50 : i32
    %convert_element_type3A_52 = arith.extui %eq3A_51 : i1 to i32
    %cond3A_53 = arith.constant 0 : i32
    %cond3A_54 = arith.cmpi ne, %convert_element_type3A_52, %cond3A_53 : i32
    scf.if %cond3A_54 {
      %get3A_55 = arith.constant 0 : index
      %get3A_56 = arith.constant 0 : index
      %get3A_57 = vector.load %arg11[%get3A_55, %get3A_56] : memref<1x1024xi32, #tpu.memory_space<vmem>>, vector<1x1024xi32>
      %swap3A = arith.constant 0 : index
      %swap3A_58 = arith.constant 0 : index
      %swap3A_59 = vector.load %arg8[%swap3A, %swap3A_58] : memref<1x1024xi32, #tpu.memory_space<vmem>>, vector<1x1024xi32>
      tpu.vector_store %arg8[%swap3A, %swap3A_58], %get3A_57 {strides = array<i32>} : memref<1x1024xi32, #tpu.memory_space<vmem>>, vector<1x1024xi32>,
      %get3A_60 = arith.constant 0 : index
      %get3A_61 = arith.constant 0 : index
      %get3A_62 = vector.load %arg12[%get3A_60, %get3A_61] : memref<1x1xf32, #tpu.memory_space<vmem>>, vector<1x1xf32>
      %swap3A_63 = arith.constant 0 : index
      %swap3A_64 = arith.constant 0 : index
      %swap3A_65 = vector.load %arg9[%swap3A_63, %swap3A_64] : memref<1x1xf32, #tpu.memory_space<vmem>>, vector<1x1xf32>
      tpu.vector_store %arg9[%swap3A_63, %swap3A_64], %get3A_62 {strides = array<i32>} : memref<1x1xf32, #tpu.memory_space<vmem>>, vector<1x1xf32>,
    } else {
    }
    return
  }
  func.func @transform_0(%arg0: i32) -> (i32, i32) {
    %c0_i32 = arith.constant 0 : i32
    %c0_i32_0 = arith.constant 0 : i32
    %c0_i32_1 = arith.constant 0 : i32
    return %c0_i32, %c0_i32_0 : i32, i32
  }
  func.func @transform_1(%arg0: i32) -> (i32, i32) {
    %c0_i32 = arith.constant 0 : i32
    %c0_i32_0 = arith.constant 0 : i32
    %c0_i32_1 = arith.constant 0 : i32
    return %c0_i32, %c0_i32_0 : i32, i32
  }
  func.func @transform_2(%arg0: i32) -> (i32, i32) {
    %c0_i32 = arith.constant 0 : i32
    %c0_i32_0 = arith.constant 0 : i32
    %c0_i32_1 = arith.constant 0 : i32
    return %c0_i32, %c0_i32_0 : i32, i32
  }
  func.func @transform_3(%arg0: i32) -> (i32, i32) {
    %c0_i32 = arith.constant 0 : i32
    %c0_i32_0 = arith.constant 0 : i32
    %c0_i32_1 = arith.constant 0 : i32
    return %c0_i32, %c0_i32_0 : i32, i32
  }
  func.func @transform_7(%arg0: i32) -> (i32, i32) {
    %c0_i32 = arith.constant 0 : i32
    %c0_i32_0 = arith.constant 0 : i32
    %c0_i32_1 = arith.constant 0 : i32
    return %c0_i32, %c0_i32_0 : i32, i32
  }
  func.func @transform_8(%arg0: i32) -> (i32, i32) {
    %c0_i32 = arith.constant 0 : i32
    %c0_i32_0 = arith.constant 0 : i32
    %c0_i32_1 = arith.constant 0 : i32
    return %c0_i32, %c0_i32_0 : i32, i32
  }
}

</mosaic_0001>

<sc_bundles>
// kernel: kernel.4.cloned.1.call-start
scs
__scs_entry_jumppad:
0x0: {  	(pc) =	sbr.rel $0x88, $3  }
0x1: {  	(tag) =	ssettag $0x0;
	lr =	simm.s32 $0x1  }
0x2: {  	[smem:$0x3F9B] =	sst lr;
	_ =	strace $0xD0000000  }
0x3: {  	_ = 	snop  }
0x4: {  	_ = 	snop  }
0x5: {  	_ = 	snop  }
0x6: {  	_ = 	snop  }
0x7: {  	_ = 	snop  }
__scs_overlays_trampoline_lowered:
0x8: {  	[smem:$0x3FAA] =	sst s0  }
0x9: {  	[smem:$0x3FAB] =	sst s1  }
0xa: {  	[smem:$0x3FAC] =	sst s2  }
0xb: {  	[smem:$0x3FAD] =	sst s3  }
0xc: {  	[smem:$0x3FAE] =	sst s4  }
0xd: {  	[smem:$0x3FAF] =	sst s5  }
0xe: {  	[smem:$0x3FB0] =	sst s6  }
0xf: {  	[smem:$0x3FB1] =	sst s7  }
0x10: {  	[smem:$0x3FB2] =	sst s8  }
0x11: {  	[smem:$0x3FB3] =	sst s9;
	s0 =	simm.s32 @!p0 $0x0  }
0x12: {  	s1 =	sld [smem:$0x3F99];
	s0 =	simm.s32 @p0 $0x1  }
0x13: {  	[smem:$0x3FB4] =	sst s0;
	s0 =	simm.s32 @!p1 $0x0  }
0x14: {  	s2 =	sld [smem:$0x3F98];
	s0 =	simm.s32 @p1 $0x1  }
0x15: {  	[smem:$0x3FB5] =	sst s0;
	s0 =	simm.s32 @!p2 $0x0  }
0x16: {  	s3 =	sld [smem:$0x3FDB];
	s0 =	simm.s32 @p2 $0x1  }
0x17: {  	s4 =	simm.s32 $0x1BF5;
	[smem:$0x3FB7] =	sst s0  }
0x18: {  	s0 =	sld [smem:$0x3F9A];
	_ =	swait.ge [sflag:s4], $0x0  }
0x19: {  	s7 =	sld [smem:$0x3F9B]  }
0x1a: {  	s8 =	sadd.s32 $0xFFFFE003, lr  }
0x1b: {  	s9 =	sadd.s32 $0xFFFFFEF7, lr;
	s5 =	simm.s32 $0xFFFFFFFF;
	p2 =	slt.u32 s8, $0xFFFFF086  }
0x1c: {  	p1 =	slt.u32 s9, $0xF7A;
	s5 =	simm.s32 @!p2 $0x0  }
0x1d: {  	s5 =	simm.s32 @p1 $0x1;
	p0 =	seq.s32 s7, s2  }
0x1e: {  	s7 =	smul.u32 @!p0 $0xF7A, s2;
	p2 =	seq.s32 @!p0 s5, $0x0  }
0x1f: {  	s9 =	smul.u32 $0xF7A, s1;
	s8 =	simm.s32 @!p0 $0x1BF5;
	p2 =	por !p2, p0  }
0x20: {  	[sflag:s8] =	ssyncset.s32 @!p0 $0xFFFFF086;
	s6 =	sadd.s32 @!p0 s3, s7;
	s7 =	simm.s32 @!p0 $0x108  }
0x21: {  	s3 =	sadd.s32 s3, s9;
	s6 =	sadd.s32 @!p0 $0x88, s6;
	s7 =	simm.s32 @p2 $0x1082  }
0x22: {  	[simem:s7], [sflag:s8] =	dma.local @!p0 [hbm:s6], $0xF7A  }
0x23: {  	s9 =	sor.u32 $0xD0000000, s2;
	s6 =	simm.s32 $0x108;
	_ =	swait.ge @!p0 [sflag:s8], $0x0  }
0x24: {  	s3 =	sadd.s32 $0x88, s3;
	s6 =	simm.s32 @!p1 $0x1082;
	[sflag:s4] =	ssyncset.s32 $0xFFFFF086  }
0x25: {  	[simem:s6], [sflag:s4] =	dma.local [hbm:s3], $0xF7A  }
0x26: {  	[smem:$0x3F9B] =	sst s1;
	(tag) =	ssettag s2;
	_ =	strace s9  }
0x27: {  	s1 =	sld [smem:$0x3FAB]  }
0x28: {  	s2 =	sld [smem:$0x3FAC]  }
0x29: {  	s4 =	sld [smem:$0x3FAE]  }
0x2a: {  	p0 =	seq.s32 s5, $0x0;
	s5 =	sld [smem:$0x3FAF]  }
0x2b: {  	s6 =	sld [smem:$0x3FB0]  }
0x2c: {  	s7 =	sld [smem:$0x3FB1]  }
0x2d: {  	s3 =	simm.s32 $0x108;
	s8 =	sld [smem:$0x3FB2]  }
0x2e: {  	s3 =	simm.s32 @!p0 $0x1082;
	s9 =	sld [smem:$0x3FB3]  }
0x2f: {  	lr =	sadd.s32 s0, s3;
	s0 =	sld [smem:$0x3FAA]  }
0x30: {  	s3 =	sld [smem:$0x3FAD]  }
0x31: {  	[smem:$0x3FB6] =	sst s10  }
0x32: {  	s10 =	sld [smem:$0x3FB4];
	_ =	sdelay $0x3  }
0x33: {  	p0 =	seq.s32 s10, $0x1;
	s10 =	sld [smem:$0x3FB6];
	_ =	sdelay $0x3  }
0x34: {  	[smem:$0x3FB6] =	sst s10  }
0x35: {  	s10 =	sld [smem:$0x3FB5];
	_ =	sdelay $0x3  }
0x36: {  	p1 =	seq.s32 s10, $0x1;
	s10 =	sld [smem:$0x3FB6];
	_ =	sdelay $0x3  }
0x37: {  	[smem:$0x3FB6] =	sst s10  }
0x38: {  	s10 =	sld [smem:$0x3FB7]  }
0x39: {  	_ = 	snop;
	(pc) =	sbr.ind lr, $3  }
0x3a: {  	_ = 	snop  }
0x3b: {  	_ = 	snop  }
0x3c: {  	p2 =	seq.s32 s10, $0x1;
	s10 =	sld [smem:$0x3FB6]  }
0x3d: {  	_ =	shalt  }
0x3e: {  	_ =	shalt  }
0x3f: {  	_ =	shalt  }
0x40: {  	_ =	shalt  }
0x41: {  	_ =	shalt  }
0x42: {  	_ =	shalt  }
0x43: {  	_ =	shalt  }
0x44: {  	_ =	shalt  }
0x45: {  	_ =	shalt  }
0x46: {  	_ =	shalt  }
0x47: {  	_ =	shalt  }
0x48: {  	_ =	shalt  }
0x49: {  	_ =	shalt  }
0x4a: {  	_ =	shalt  }
0x4b: {  	_ =	shalt  }
0x4c: {  	_ =	shalt  }
0x4d: {  	_ =	shalt  }
0x4e: {  	_ =	shalt  }
0x4f: {  	_ =	shalt  }
0x50: {  	_ =	shalt  }
0x51: {  	_ =	shalt  }
0x52: {  	_ =	shalt  }
0x53: {  	_ =	shalt  }
0x54: {  	_ =	shalt  }
0x55: {  	_ =	shalt  }
0x56: {  	_ =	shalt  }
0x57: {  	_ =	shalt  }
0x58: {  	_ =	shalt  }
0x59: {  	_ =	shalt  }
0x5a: {  	_ =	shalt  }
0x5b: {  	_ =	shalt  }
0x5c: {  	_ =	shalt  }
0x5d: {  	_ =	shalt  }
0x5e: {  	_ =	shalt  }
0x5f: {  	_ =	shalt  }
0x60: {  	_ =	shalt  }
0x61: {  	_ =	shalt  }
0x62: {  	_ =	shalt  }
0x63: {  	_ =	shalt  }
0x64: {  	_ =	shalt  }
0x65: {  	_ =	shalt  }
0x66: {  	_ =	shalt  }
0x67: {  	_ =	shalt  }
0x68: {  	_ =	shalt  }
0x69: {  	_ =	shalt  }
0x6a: {  	_ =	shalt  }
0x6b: {  	_ =	shalt  }
0x6c: {  	_ =	shalt  }
0x6d: {  	_ =	shalt  }
0x6e: {  	_ =	shalt  }
0x6f: {  	_ =	shalt  }
0x70: {  	_ =	shalt  }
0x71: {  	_ =	shalt  }
0x72: {  	_ =	shalt  }
0x73: {  	_ =	shalt  }
0x74: {  	_ =	shalt  }
0x75: {  	_ =	shalt  }
0x76: {  	_ =	shalt  }
0x77: {  	_ =	shalt  }
0x78: {  	_ =	shalt  }
0x79: {  	_ =	shalt  }
0x7a: {  	_ =	shalt  }
0x7b: {  	_ =	shalt  }
0x7c: {  	_ =	shalt  }
0x7d: {  	_ =	shalt  }
0x7e: {  	_ =	shalt  }
0x7f: {  	_ =	shalt  }
0x80: {  	_ =	shalt  }
0x81: {  	_ =	shalt  }
0x82: {  	_ =	shalt  }
0x83: {  	_ =	shalt  }
0x84: {  	_ =	shalt  }
0x85: {  	_ =	shalt  }
0x86: {  	_ =	shalt  }
0x87: {  	_ =	shalt  }
.Lfunc_end0:
.L_simem_size_0:
called_computation_lowered:
.L_overlay_start_0:
0x88: {  	s2 =	sld [smem:$0x3FD9]  }
0x89: {  	s3 =	sld [smem:$0x3FFE];
	_ =	sdelay $0x1  }
0x8a: {  	s1 =	srdreg.scid  }
0x8b: {  	s0 =	sand.u32 $0x1, s1  }
0x8c: {  	s17 =	sshll.u32 s0, $0xA;
	s2 =	sadd.s32 s3, s2  }
0x8d: {  	s2 =	sadd.s32 s2, s17  }
0x8e: {  	[smem:$0x3FC2] =	sst s2  }
0x8f: {  	_ = 	snop  }
0x90: {  	s2 =	sld [smem:$0x3FD0];
	(tm) =	ssettm $0x1  }
0x91: {  	s18 =	sld [smem:$0x3FFB];
	_ =	sdelay $0x3  }
0x92: {  	_ =	strace s18  }
0x93: {  	s3 =	sld [smem:$0x3FFC];
	_ =	sdelay $0x3  }
0x94: {  	_ =	strace s3  }
0x95: {  	s3 =	sld [smem:$0x3FFD];
	_ =	sdelay $0x3  }
0x96: {  	_ =	strace s3  }
0x97: {  	_ =	strace $0x8FFFFFFF  }
0x98: {  	s19 =	sld [smem:$0x3FDB];
	_ =	sdelay $0x1  }
0x99: {  	s4 =	simm.s32 $_scs_section_size  }
0x9a: {  	s5 =	simm.s32 $_size__tile_overlayer_lowered;
	s6 =	simm.s32 $_tile_overlayer_lowered  }
0x9b: {  	s22 =	simm.s32 $0x1BFF;
	s21 =	sshll.u32 s6, $0x1;
	s3 =	sadd.s32 s4, s19  }
0x9c: {  	s7 =	simm.s32 $0x0;
	s20 =	sshll.u32 s5, $0x1;
	s5 =	sadd.s32 s21, s3  }
0x9d: {  	[timem:s7], [sflag:s22] =	dma.local [hbm:s5], s20  }
0x9e: {  	_ =	swait.ge [sflag:s22], s20  }
0x9f: {  	s4 =	ssub.s32 $0x0, s20;
	[sflag:s22] =	ssyncset.done $0x0  }
0xa0: {  	[sflag:s22] =	ssyncadd.s32 s4;
	_ =	sdelay $0x1  }
0xa1: {  	s23 =	simm.s32 $0x1B8B  }
0xa2: {  	_ =	swait.ge [sflag:s23], $0x1  }
0xa3: {  	[sflag:s23] =	ssyncset.done $0x0  }
0xa4: {  	s25 =	simm.s32 $0x1B8E;
	s24 =	sld [smem:$0x3FFE];
	[sflag:s23] =	ssyncadd.s32 $0xFFFFFFFF  }
0xa5: {  	s26 =	simm.s32 $execute0_lowered;
	[smem:$0x3FD2] =	sst s25  }
0xa6: {  	s5 =	sshll.u32 s26, $0x1;
	_ =	strace $0x80000046;
	[dreg:$0x1] =	wrdreg $0xFFFFFFFF  }
0xa7: {  	s28 =	simm.s32 $_size_execute0_lowered;
	s3 =	sadd.s32 s3, s5;
	[dreg:$0x0] =	wrdreg $0x0  }
0xa8: {  	s5 =	sshll.u32 s28, $0x1;
	[dreg:$0x2] =	wrdreg s3  }
0xa9: {  	[dreg:$0x3] =	wrdreg s5  }
0xaa: {  	[dreg:$0x4] =	wrdreg $0xC0  }
0xab: {  	_ =	task [dreg:s7], $0x5FFFF  }
0xac: {  	[dreg:$0x1] =	wrdreg $0xFFFFFFFF  }
0xad: {  	[dreg:$0x0] =	wrdreg $0x60  }
0xae: {  	[dreg:$0x2] =	wrdreg s24  }
0xaf: {  	[dreg:$0x3] =	wrdreg s2  }
0xb0: {  	[dreg:$0x4] =	wrdreg $0x9  }
0xb1: {  	_ =	task.clear_ibuf [dreg:s7], $0x5FFFF;
	_ =	strace $0x90000046  }
0xb2: {  	s29 =	simm.s32 $0x9;
	_ =	strace $0x80000048  }
0xb3: {  	_ =	swait.ge [sflag:s29], $0x1  }
0xb4: {  	[sflag:s29] =	ssyncadd.s32 $0xFFFFFFFF  }
0xb5: {  	_ =	strace $0x90000048  }
0xb6: {  	_ =	sfence  }
0xb7: {  	s30 =	sld [smem:$0x0];
	_ =	sdelay $0x2  }
0xb8: {  	s31 =	sshll.u32 s1, $0xD;
	s1 =	sshrl.u32 s1, $0x2  }
0xb9: {  	s3 =	sand.u32 $0x4000, s31;
	s1 =	sadd.s32 s1, s30  }
0xba: {  	s0 =	sor.u32 s3, s0;
	s1 =	sshll.u32 s1, $0x11  }
0xbb: {  	s0 =	sor.u32 s1, s0  }
0xbc: {  	s0 =	sadd.s32 $0x8F2B, s0  }
0xbd: {  	[sflag:s0] =	ssyncadd.remote.s32 $0x1  }
0xbe: {  	_ =	sfence.sel $0xFFFF  }
0xbf: {  	[dreg:$0x0] =	wrdreg $0xFFFFFFFF;
	(pc) =	sbr.abs _section_cstart, $3  }
0xc0: {  	[dreg:$0x1] =	wrdreg $0xFFFFFFFF  }
0xc1: {  	_ =	task.clear_ibuf [dreg:s7], $0x2FFFF;
	_ =	strace $0x9FFFFFFF  }
0xc2: {  	(tm) =	ssettm $0x7FFFFFFF  }
0xc3: {  	_ =	shalt  }
tec
execute0_lowered:
.L_overlay_start_1:
0x0: {  	(tag) =	ssettag $0x1  }
0x1: {  	s1 =	srdreg.scid;
	s9 =	rddreg [dreg:$0x0]  }
0x2: {  	s0 =	stileid.u32;
	s3 =	rddreg [dreg:$0x1]  }
0x3: {  	s2 =	simm.s32 $0x0;
	s7 =	simm.s32 $0x80;
	s6 =	sand.u32 $0x1, s1  }
0x4: {  	s4 =	sshll.u32 s0, $0x6;
	s1 =	rddreg [dreg:$0x2];
	s5 =	sshll.u32 s6, $0x5  }
0x5: {  	s8 =	simm.s32 $0x1;
	[smem:$0x7FF] =	sst s2;
	s10 =	sor.u32 s5, s4  }
0x6: {  	_ =	strace $0x80000047;
	s11 =	ssub.s32 $0x2, s6;
	s4 =	sshrl.u32 s10, $0x3  }
0x7: {  	s6 =	simm.s32 $0x20;
	s4 =	sadd.s32 s3, s4;
	s3 =	simm.s32 $0x2  }
0x8: {  	[tilespmem:s2], [sflag:$0x2] =	stream.linear.gather [hbm4b:s4+s2], $0x20, $0x38;
	[tilespmem:$0x1080] =	vst v63  }
0x9: {  	s5 =	sadd.s32 $0x187200, s9;
	s12 =	sshrl.u32 s11, $0x1;
	_ =	swait.ge [sflag:s3], $0x20  }
0xa: {  	s10 =	sshll.u32 s10, $0x4;
	s31 =	ssub.s32 s11, s12;
	[sflag:s3] =	ssyncset.done $0x0  }
0xb: {  	s9 =	sadd.s32 s10, s9;
	s10 =	smax.u32 s31, $0x1;
	[sflag:s3] =	ssyncadd.s32 $0xFFFFFFE0  }
0xc: {  	[tilespmem:s7], [sflag:$0x1] =	stream.indirect.gather [hbm4b:s5+s6], $0x80, s2, s6, $0xb8;
	[tilespmem:$0x1080] =	vst v63  }
0xd: {  	p0 =	sne.s32 s10, $0x1;
	_ =	swait.ge [sflag:s8], $0x1000  }
.Ltmp0:
0xe: {  	[sflag:s8] =	ssyncset.done $0x0;
	(pc) =	sbr.rel @!p0 .LBB2_2-.Ltmp0, $4  }
0xf: {  	s9 =	sadd.s32 $0xA00, s9;
	[sflag:s8] =	ssyncadd.s32 $0xFFFFF000  }
0x10: {  	[hbm4b:s9+s2] =	stream.linear.scatter [tilespmem:s7], [sflag:$0x2], $0x1000, $0x38;
	[tilespmem:$0x1080] =	vst v63  }
0x11: {  	_ =	swait.ge [sflag:s3], $0x1000  }
0x12: {  	s10 =	sadd.s32 $0xFFFFFFFF, s10;
	[sflag:s3] =	ssyncset.done $0x0  }
.LBB2_1:
0x13: {  	p0 =	sne.s32 s10, $0x1;
	s10 =	sadd.s32 $0xFFFFFFFF, s10;
	[sflag:s3] =	ssyncadd.s32 $0xFFFFF000  }
0x14: {  	[tilespmem:s2], [sflag:$0x2] =	stream.linear.gather [hbm4b:s4+s2], $0x20, $0x38;
	[tilespmem:$0x1080] =	vst v63  }
0x15: {  	_ =	swait.ge [sflag:s3], $0x20  }
0x16: {  	[sflag:s3] =	ssyncset.done $0x0  }
0x17: {  	[sflag:s3] =	ssyncadd.s32 $0xFFFFFFE0  }
0x18: {  	[tilespmem:s7], [sflag:$0x1] =	stream.indirect.gather [hbm4b:s5+s6], $0x80, s2, s6, $0xb8;
	[tilespmem:$0x1080] =	vst v63  }
0x19: {  	_ =	swait.ge [sflag:s8], $0x1000  }
.Ltmp1:
0x1a: {  	[sflag:s8] =	ssyncset.done $0x0;
	(pc) =	sbr.rel @p0 .LBB2_1-.Ltmp1, $4  }
0x1b: {  	[sflag:s8] =	ssyncadd.s32 $0xFFFFF000  }
0x1c: {  	[hbm4b:s9+s2] =	stream.linear.scatter [tilespmem:s7], [sflag:$0x2], $0x1000, $0x38;
	[tilespmem:$0x1080] =	vst v63  }
0x1d: {  	_ =	swait.ge [sflag:s3], $0x1000  }
0x1e: {  	[sflag:s3] =	ssyncset.done $0x0  }
.LBB2_2:
0x1f: {  	[sflag:s3] =	ssyncadd.s32 $0xFFFFF000  }
0x20: {  	_ =	sfence.sel $0x180000  }
0x21: {  	[bflag:$0x0] =	sbarrier.arrive $0xFFFF  }
0x22: {  	p0 =	sne.s32 s0, $0x0;
	_ =	strace $0x90000047  }
0x23: {  	s0 =	sadd.s32 @!p0 $0x100000, s1;
	[bflag:$0x2] =	sbarrier.arrive $0xFFFF  }
0x24: {  	[sflag:s0] =	ssyncadd.tile.s32 @!p0 $0x1;
	_ =	shalt  }
.Lfunc_end2:
_tile_overlayer_lowered:
.L_overlay_start_2:
0x25: {  	(tag) =	ssettag $0x2  }
0x26: {  	s0 =	rddreg [dreg:$0x0];
	s2 =	stileid.u32  }
0x27: {  	s1 =	rddreg [dreg:$0x1];
	p0 =	sne.s32 s2, $0x0  }
0x28: {  	s3 =	rddreg [dreg:$0x2];
	[bflag:$0x3] =	sbarrier.arrive $0xFFFF;
	s2 =	simm.s32 @!p0 $0x1C02  }
0x29: {  	[timem:s3], [sflag:s2] =	dma.local @!p0 [hbm:s0], s1  }
0x2a: {  	s0 =	simm.s32 @!p0 $0x2  }
0x2b: {  	_ =	swait.ge @!p0 [sflag:s0], s1  }
0x2c: {  	s1 =	ssub.s32 @!p0 $0x0, s1;
	[sflag:s0] =	ssyncset.done @!p0 $0x0  }
0x2d: {  	[sflag:s0] =	ssyncadd.s32 @!p0 s1  }
0x2e: {  	[bflag:$0x3] =	sbarrier.arrive $0xFFFF  }
0x2f: {  	_ =	shalt  }

</sc_bundles>
